<compile_context>
chip_gen: v7x
topology: tpu7x:2x2x1
jax: 0.10.2.dev20260603
libtpu: 0.0.44.dev20260713+nightly
codegen_flags: <defaults>
</compile_context>

<pallas_src>
import functools

import jax
import jax.numpy as jnp
from jax.experimental import pallas as pl
from jax.experimental.pallas import tpu as pltpu
from jax.experimental.pallas import tpu_sc as plsc

NUM_LANG = 64
IN_DIM = 1024
HID_DIM = 256
OUT_DIM = 1024
SEQ = 8
BZ = 128

BCOLS = 8
NB = BZ // BCOLS
NITEMS = NUM_LANG + NB - 1


def _routing(lang_ids):
    lang = lang_ids.astype(jnp.int32)
    t = jnp.arange(BZ, dtype=jnp.int32)
    e = jnp.arange(NUM_LANG, dtype=jnp.int32)
    Mi = (lang[None, :] == e[:, None]).astype(jnp.int32)
    counts = Mi.sum(axis=1)
    starts_e = jnp.cumsum(counts) - counts
    rank = (Mi * jnp.cumsum(Mi, axis=1)).sum(axis=0) - 1
    pos = (Mi * starts_e[:, None]).sum(axis=0) + rank
    Pi = (pos[None, :] == t[:, None]).astype(jnp.int32)
    perm = (Pi * t[None, :]).sum(axis=1)
    slang = (Pi * lang[None, :]).sum(axis=1)
    prev = jnp.concatenate([jnp.full((1,), -1, jnp.int32), slang[:-1]])
    starts_t = ((t % BCOLS) == 0) | (slang != prev)
    item_id = jnp.cumsum(starts_t.astype(jnp.int32)) - 1
    ii = jnp.arange(NITEMS, dtype=jnp.int32)
    I = item_id[None, :] == ii[:, None]
    t0 = jnp.min(jnp.where(I, t, BZ), axis=1)
    t1 = jnp.max(jnp.where(I, t + 1, 0), axis=1)
    num_items = item_id[BZ - 1] + 1
    last_t0 = jnp.sum(jnp.where(ii == num_items - 1, t0, 0))
    valid = ii < num_items
    t0 = jnp.where(valid, t0, last_t0)
    t1 = jnp.where(valid, t1, last_t0)
    tc = jnp.clip(t0, 0, BZ - 1)
    item_expert = ((tc[:, None] == t[None, :]) * slang[None, :]).sum(axis=1)
    item_block = t0 // BCOLS
    item_lo = t0 % BCOLS
    item_hi = t1 - item_block * BCOLS
    return perm, item_expert, item_block, item_lo, item_hi


NSPLIT = 2


def _mlp_body(expert_ref, block_ref, lo_ref, hi_ref, perm_ref,
              x_ref, *rest):
    w1_refs = rest[:NSPLIT]
    w2_refs = rest[NSPLIT:2 * NSPLIT]
    b1_ref, b2_ref, y_ref, xg_ref = rest[2 * NSPLIT:]
    i = pl.program_id(0)
    lo = lo_ref[i]
    hi = hi_ref[i]
    blk = block_ref[i]
    e = expert_ref[i]

    @pl.when(hi > lo)
    def _():
        for j in range(BCOLS):
            col = perm_ref[blk * BCOLS + j]
            xg_ref[pl.ds(j * SEQ, SEQ), :] = x_ref[:, col, :]
        xg = xg_ref[...]
        dn = (((1,), (1,)), ((), ()))
        h = jnp.concatenate(
            [jax.lax.dot_general(xg, w[0], dn,
                                 preferred_element_type=jnp.float32)
             for w in w1_refs], axis=1)
        h = jnp.maximum(h + b1_ref[e], 0.0)
        y = jnp.concatenate(
            [jax.lax.dot_general(h, w[0], dn,
                                 preferred_element_type=jnp.float32)
             for w in w2_refs], axis=1)
        y = y + b2_ref[e]
        yb = y.reshape(BCOLS, SEQ, OUT_DIM)
        for j in range(BCOLS):
            @pl.when((j >= lo) & (j < hi))
            def _(j=j):
                col = perm_ref[blk * BCOLS + j]
                y_ref[:, col, :] = yb[j]


def _sc_passthrough(a):
    mesh = plsc.VectorSubcoreMesh(core_axis_name="c", subcore_axis_name="s")

    @functools.partial(
        pl.kernel, mesh=mesh,
        out_type=jax.ShapeDtypeStruct((BZ,), jnp.int32),
        scratch_types=[pltpu.VMEM((BZ,), jnp.int32)])
    def k(a_hbm, out_hbm, buf):
        wid = jax.lax.axis_index("s") * 2 + jax.lax.axis_index("c")

        @pl.when(wid == 0)
        def _():
            pltpu.sync_copy(a_hbm, buf)
            pltpu.sync_copy(buf, out_hbm)

    return k(a)


@jax.jit
def kernel(x, lang_ids, W1, b1, W2, b2):
    perm, item_expert, item_block, item_lo, item_hi = _routing(lang_ids)
    perm = _sc_passthrough(perm)

    grid_spec = pltpu.PrefetchScalarGridSpec(
        num_scalar_prefetch=5,
        grid=(NITEMS,),
        in_specs=[
            pl.BlockSpec((SEQ, BZ, IN_DIM), lambda i, *_: (0, 0, 0)),
        ] + [
            pl.BlockSpec((1, HID_DIM // NSPLIT, IN_DIM),
                         functools.partial(
                             lambda k, i, e_ref, *_: (e_ref[i], k, 0), k))
            for k in range(NSPLIT)
        ] + [
            pl.BlockSpec((1, OUT_DIM // NSPLIT, HID_DIM),
                         functools.partial(
                             lambda k, i, e_ref, *_: (e_ref[i], k, 0), k))
            for k in range(NSPLIT)
        ] + [
            pl.BlockSpec((NUM_LANG, HID_DIM), lambda i, *_: (0, 0)),
            pl.BlockSpec((NUM_LANG, OUT_DIM), lambda i, *_: (0, 0)),
        ],
        out_specs=pl.BlockSpec((SEQ, BZ, OUT_DIM), lambda i, *_: (0, 0, 0)),
        scratch_shapes=[pltpu.VMEM((BCOLS * SEQ, IN_DIM), jnp.float32)],
    )
    y = pl.pallas_call(
        _mlp_body,
        grid_spec=grid_spec,
        out_shape=jax.ShapeDtypeStruct((SEQ, BZ, OUT_DIM), jnp.float32),
    )(item_expert, item_block, item_lo, item_hi, perm,
      x, *([W1] * NSPLIT), *([W2] * NSPLIT), b1, b2)
    return y

# --- scband reference (transcript-rebuilt; emitter-appended) ---
"""Pipeline reference for scband-mapper-49074296324497 (READ-ONLY COPY).

The authoritative reference and input builder live on the scoring server;
editing this copy changes nothing except your own understanding.
"""

import jax, jax.numpy as jnp
import numpy as np

NUM_LANG = 64
IN_DIM = 1024
HID_DIM = 256
OUT_DIM = 1024
SEQ = 8
BZ = 128


def setup_inputs(seed: int = 0) -> dict:
    key = jax.random.key(seed)
    ks = jax.random.split(key, 6)
    x = jax.random.normal(ks[0], (SEQ, BZ, IN_DIM), dtype=jnp.float32)
    lang_ids = jax.random.randint(ks[1], (BZ,), 0, NUM_LANG, dtype=jnp.int64 if jax.config.jax_enable_x64 else jnp.int32)
    s1 = 1.0 / np.sqrt(IN_DIM)
    W1 = jax.random.uniform(ks[2], (NUM_LANG, HID_DIM, IN_DIM), minval=-s1, maxval=s1, dtype=jnp.float32)
    b1 = jax.random.uniform(ks[3], (NUM_LANG, HID_DIM), minval=-s1, maxval=s1, dtype=jnp.float32)
    s2 = 1.0 / np.sqrt(HID_DIM)
    W2 = jax.random.uniform(ks[4], (NUM_LANG, OUT_DIM, HID_DIM), minval=-s2, maxval=s2, dtype=jnp.float32)
    b2 = jax.random.uniform(ks[5], (NUM_LANG, OUT_DIM), minval=-s2, maxval=s2, dtype=jnp.float32)
    return {"x": x, "lang_ids": lang_ids, "W1": W1, "b1": b1, "W2": W2, "b2": b2}


def reference(x, lang_ids, W1, b1, W2, b2):
    # Faithful translation of the multi-lang branch: every batch column b
    # is processed by the MLP of expert lang_ids[b]. The torch loop
    # (select columns of lang == ind, apply W1[ind]/W2[ind], scatter back into y)
    # is mathematically identical to gathering per-column expert weights.
    w1 = jnp.take(W1, lang_ids, axis=0)            # [BZ, HID, IN]
    bb1 = jnp.take(b1, lang_ids, axis=0)           # [BZ, HID]
    w2 = jnp.take(W2, lang_ids, axis=0)            # [BZ, OUT, HID]
    bb2 = jnp.take(b2, lang_ids, axis=0)           # [BZ, OUT]
    h = jnp.einsum('sbd,bhd->sbh', x, w1) + bb1[None, :, :]
    h = jax.nn.relu(h)
    y = jnp.einsum('sbh,boh->sbo', h, w2) + bb2[None, :, :]
    return y

if __name__ == "__main__":
    import jax
    _d = setup_inputs()
    print(jax.jit(kernel)(*tuple(_d.values())))

</pallas_src>

<mosaic_0001>
#map = affine_map<(d0, d1) -> (0)>
module attributes {stable_mosaic.version = 14 : i64} {
  func.func @k(%arg0: i32, %arg1: i32, %arg2: memref<128xi32, #tpu.memory_space<hbm>>, %arg3: memref<128xi32, #tpu.memory_space<hbm>>, %arg4: memref<128xi32, #tpu.memory_space<vmem>>) attributes {dimension_semantics = [#tpu.dimension_semantics<core_parallel>, #tpu.dimension_semantics<subcore_parallel>], iteration_bounds = array<i64: 2, 16>, scalar_prefetch = 0 : i64, scratch_operands = 1 : i64, tpu.core_type = #tpu.core_type<sc_vector_subcore>, window_params = [{transform_indices = #map}, {transform_indices = #map}]} {
    %mul3A = arith.constant 2 : i32
    %mul3A_0 = arith.muli %arg1, %mul3A : i32
    %add3A = arith.addi %mul3A_0, %arg0 : i32
    %eq3A = arith.constant 0 : i32
    %eq3A_1 = arith.cmpi eq, %add3A, %eq3A : i32
    %convert_element_type3A = arith.extui %eq3A_1 : i1 to i32
    %cond3A = arith.constant 0 : i32
    %cond3A_2 = arith.cmpi ne, %convert_element_type3A, %cond3A : i32
    scf.if %cond3A_2 {
      "tpu.region"() ({
        %run_scoped3A = tpu.sem_alloc : memref<!tpu.dma_semaphore, #tpu.memory_space<semaphore_mem>>
        tpu.enqueue_dma source(%arg2 : memref<128xi32, #tpu.memory_space<hbm>>) target(%arg4 : memref<128xi32, #tpu.memory_space<vmem>>) target_semaphore(%run_scoped3A : memref<!tpu.dma_semaphore, #tpu.memory_space<semaphore_mem>>)
        tpu.wait_dma2 semaphore(%run_scoped3A : memref<!tpu.dma_semaphore, #tpu.memory_space<semaphore_mem>>) src(%arg2 : memref<128xi32, #tpu.memory_space<hbm>>) dst(%arg4 : memref<128xi32, #tpu.memory_space<vmem>>)
        tpu.yield
      }) : () -> ()
      "tpu.region"() ({
        %run_scoped3A = tpu.sem_alloc : memref<!tpu.dma_semaphore, #tpu.memory_space<semaphore_mem>>
        tpu.enqueue_dma source(%arg4 : memref<128xi32, #tpu.memory_space<vmem>>) target(%arg3 : memref<128xi32, #tpu.memory_space<hbm>>) target_semaphore(%run_scoped3A : memref<!tpu.dma_semaphore, #tpu.memory_space<semaphore_mem>>)
        tpu.wait_dma2 semaphore(%run_scoped3A : memref<!tpu.dma_semaphore, #tpu.memory_space<semaphore_mem>>) src(%arg4 : memref<128xi32, #tpu.memory_space<vmem>>) dst(%arg3 : memref<128xi32, #tpu.memory_space<hbm>>)
        tpu.yield
      }) : () -> ()
    } else {
    }
    return
  }
}

module attributes {stable_mosaic.version = 14 : i64} {
  func.func @_mlp_body(%arg0: i32, %arg1: memref<79xi32, #tpu.memory_space<smem>>, %arg2: memref<79xi32, #tpu.memory_space<smem>>, %arg3: memref<79xi32, #tpu.memory_space<smem>>, %arg4: memref<79xi32, #tpu.memory_space<smem>>, %arg5: memref<128xi32, #tpu.memory_space<smem>>, %arg6: memref<8x128x1024xf32, #tpu.memory_space<vmem>>, %arg7: memref<1x128x1024xf32, #tpu.memory_space<vmem>>, %arg8: memref<1x128x1024xf32, #tpu.memory_space<vmem>>, %arg9: memref<1x512x256xf32, #tpu.memory_space<vmem>>, %arg10: memref<1x512x256xf32, #tpu.memory_space<vmem>>, %arg11: memref<64x256xf32, #tpu.memory_space<vmem>>, %arg12: memref<64x1024xf32, #tpu.memory_space<vmem>>, %arg13: memref<8x128x1024xf32, #tpu.memory_space<vmem>>, %arg14: memref<64x1024xf32, #tpu.memory_space<vmem>>) attributes {dimension_semantics = [#tpu.dimension_semantics<arbitrary>], iteration_bounds = array<i64: 79>, scalar_prefetch = 5 : i64, scratch_operands = 1 : i64, tpu.core_type = #tpu.core_type<tc>, window_params = [{pipeline_mode = #tpu.pipeline_mode<synchronous>, transform_indices = @transform_0, window_bounds = array<i64: 8, 128, 1024>}, {transform_indices = @transform_1, window_bounds = array<i64: 1, 128, 1024>}, {transform_indices = @transform_2, window_bounds = array<i64: 1, 128, 1024>}, {transform_indices = @transform_3, window_bounds = array<i64: 1, 512, 256>}, {transform_indices = @transform_4, window_bounds = array<i64: 1, 512, 256>}, {pipeline_mode = #tpu.pipeline_mode<synchronous>, transform_indices = @transform_5, window_bounds = array<i64: 64, 256>}, {pipeline_mode = #tpu.pipeline_mode<synchronous>, transform_indices = @transform_6, window_bounds = array<i64: 64, 1024>}, {pipeline_mode = #tpu.pipeline_mode<synchronous>, transform_indices = @transform_7, window_bounds = array<i64: 8, 128, 1024>}]} {
    %get3A = arith.index_cast %arg0 : i32 to index
    %get3A_0 = memref.load %arg3[%get3A] : memref<79xi32, #tpu.memory_space<smem>>
    %get3A_1 = arith.index_cast %arg0 : i32 to index
    %get3A_2 = memref.load %arg4[%get3A_1] : memref<79xi32, #tpu.memory_space<smem>>
    %get3A_3 = arith.index_cast %arg0 : i32 to index
    %get3A_4 = memref.load %arg2[%get3A_3] : memref<79xi32, #tpu.memory_space<smem>>
    %get3A_5 = arith.index_cast %arg0 : i32 to index
    %get3A_6 = memref.load %arg1[%get3A_5] : memref<79xi32, #tpu.memory_space<smem>>
    %gt3A = arith.cmpi sgt, %get3A_2, %get3A_0 : i32
    %convert_element_type3A = arith.extui %gt3A : i1 to i32
    %cond3A = arith.constant 0 : i32
    %cond3A_7 = arith.cmpi ne, %convert_element_type3A, %cond3A : i32
    scf.if %cond3A_7 {
      %mul3A = arith.constant 8 : i32
      %mul3A_8 = arith.muli %get3A_4, %mul3A : i32
      %add3A = arith.constant 0 : i32
      %add3A_9 = arith.addi %mul3A_8, %add3A : i32
      %get3A_10 = arith.index_cast %add3A_9 : i32 to index
      %get3A_11 = memref.load %arg5[%get3A_10] : memref<128xi32, #tpu.memory_space<smem>>
      %get3A_12 = arith.constant 0 : index
      %get3A_13 = arith.index_cast %get3A_11 : i32 to index
      %get3A_14 = arith.constant 0 : index
      %get3A_15 = vector.load %arg6[%get3A_12, %get3A_13, %get3A_14] : memref<8x128x1024xf32, #tpu.memory_space<vmem>>, vector<8x1x1024xf32>
      %get3A_16 = vector.shape_cast %get3A_15 : vector<8x1x1024xf32> to vector<8x1024xf32>
      %swap3A = arith.constant 0 : index
      %swap3A_17 = arith.constant 0 : index
      %swap3A_18 = vector.load %arg14[%swap3A, %swap3A_17] : memref<64x1024xf32, #tpu.memory_space<vmem>>, vector<8x1024xf32>
      tpu.vector_store %arg14[%swap3A, %swap3A_17], %get3A_16 {strides = array<i32>} : memref<64x1024xf32, #tpu.memory_space<vmem>>, vector<8x1024xf32>,
      %mul3A_19 = arith.constant 8 : i32
      %mul3A_20 = arith.muli %get3A_4, %mul3A_19 : i32
      %add3A_21 = arith.constant 1 : i32
      %add3A_22 = arith.addi %mul3A_20, %add3A_21 : i32
      %get3A_23 = arith.index_cast %add3A_22 : i32 to index
      %get3A_24 = memref.load %arg5[%get3A_23] : memref<128xi32, #tpu.memory_space<smem>>
      %get3A_25 = arith.constant 0 : index
      %get3A_26 = arith.index_cast %get3A_24 : i32 to index
      %get3A_27 = arith.constant 0 : index
      %get3A_28 = vector.load %arg6[%get3A_25, %get3A_26, %get3A_27] : memref<8x128x1024xf32, #tpu.memory_space<vmem>>, vector<8x1x1024xf32>
      %get3A_29 = vector.shape_cast %get3A_28 : vector<8x1x1024xf32> to vector<8x1024xf32>
      %swap3A_30 = arith.constant 8 : index
      %swap3A_31 = arith.constant 0 : index
      %swap3A_32 = vector.load %arg14[%swap3A_30, %swap3A_31] : memref<64x1024xf32, #tpu.memory_space<vmem>>, vector<8x1024xf32>
      tpu.vector_store %arg14[%swap3A_30, %swap3A_31], %get3A_29 {strides = array<i32>} : memref<64x1024xf32, #tpu.memory_space<vmem>>, vector<8x1024xf32>,
      %mul3A_33 = arith.constant 8 : i32
      %mul3A_34 = arith.muli %get3A_4, %mul3A_33 : i32
      %add3A_35 = arith.constant 2 : i32
      %add3A_36 = arith.addi %mul3A_34, %add3A_35 : i32
      %get3A_37 = arith.index_cast %add3A_36 : i32 to index
      %get3A_38 = memref.load %arg5[%get3A_37] : memref<128xi32, #tpu.memory_space<smem>>
      %get3A_39 = arith.constant 0 : index
      %get3A_40 = arith.index_cast %get3A_38 : i32 to index
      %get3A_41 = arith.constant 0 : index
      %get3A_42 = vector.load %arg6[%get3A_39, %get3A_40, %get3A_41] : memref<8x128x1024xf32, #tpu.memory_space<vmem>>, vector<8x1x1024xf32>
      %get3A_43 = vector.shape_cast %get3A_42 : vector<8x1x1024xf32> to vector<8x1024xf32>
      %swap3A_44 = arith.constant 16 : index
      %swap3A_45 = arith.constant 0 : index
      %swap3A_46 = vector.load %arg14[%swap3A_44, %swap3A_45] : memref<64x1024xf32, #tpu.memory_space<vmem>>, vector<8x1024xf32>
      tpu.vector_store %arg14[%swap3A_44, %swap3A_45], %get3A_43 {strides = array<i32>} : memref<64x1024xf32, #tpu.memory_space<vmem>>, vector<8x1024xf32>,
      %mul3A_47 = arith.constant 8 : i32
      %mul3A_48 = arith.muli %get3A_4, %mul3A_47 : i32
      %add3A_49 = arith.constant 3 : i32
      %add3A_50 = arith.addi %mul3A_48, %add3A_49 : i32
      %get3A_51 = arith.index_cast %add3A_50 : i32 to index
      %get3A_52 = memref.load %arg5[%get3A_51] : memref<128xi32, #tpu.memory_space<smem>>
      %get3A_53 = arith.constant 0 : index
      %get3A_54 = arith.index_cast %get3A_52 : i32 to index
      %get3A_55 = arith.constant 0 : index
      %get3A_56 = vector.load %arg6[%get3A_53, %get3A_54, %get3A_55] : memref<8x128x1024xf32, #tpu.memory_space<vmem>>, vector<8x1x1024xf32>
      %get3A_57 = vector.shape_cast %get3A_56 : vector<8x1x1024xf32> to vector<8x1024xf32>
      %swap3A_58 = arith.constant 24 : index
      %swap3A_59 = arith.constant 0 : index
      %swap3A_60 = vector.load %arg14[%swap3A_58, %swap3A_59] : memref<64x1024xf32, #tpu.memory_space<vmem>>, vector<8x1024xf32>
      tpu.vector_store %arg14[%swap3A_58, %swap3A_59], %get3A_57 {strides = array<i32>} : memref<64x1024xf32, #tpu.memory_space<vmem>>, vector<8x1024xf32>,
      %mul3A_61 = arith.constant 8 : i32
      %mul3A_62 = arith.muli %get3A_4, %mul3A_61 : i32
      %add3A_63 = arith.constant 4 : i32
      %add3A_64 = arith.addi %mul3A_62, %add3A_63 : i32
      %get3A_65 = arith.index_cast %add3A_64 : i32 to index
      %get3A_66 = memref.load %arg5[%get3A_65] : memref<128xi32, #tpu.memory_space<smem>>
      %get3A_67 = arith.constant 0 : index
      %get3A_68 = arith.index_cast %get3A_66 : i32 to index
      %get3A_69 = arith.constant 0 : index
      %get3A_70 = vector.load %arg6[%get3A_67, %get3A_68, %get3A_69] : memref<8x128x1024xf32, #tpu.memory_space<vmem>>, vector<8x1x1024xf32>
      %get3A_71 = vector.shape_cast %get3A_70 : vector<8x1x1024xf32> to vector<8x1024xf32>
      %swap3A_72 = arith.constant 32 : index
      %swap3A_73 = arith.constant 0 : index
      %swap3A_74 = vector.load %arg14[%swap3A_72, %swap3A_73] : memref<64x1024xf32, #tpu.memory_space<vmem>>, vector<8x1024xf32>
      tpu.vector_store %arg14[%swap3A_72, %swap3A_73], %get3A_71 {strides = array<i32>} : memref<64x1024xf32, #tpu.memory_space<vmem>>, vector<8x1024xf32>,
      %mul3A_75 = arith.constant 8 : i32
      %mul3A_76 = arith.muli %get3A_4, %mul3A_75 : i32
      %add3A_77 = arith.constant 5 : i32
      %add3A_78 = arith.addi %mul3A_76, %add3A_77 : i32
      %get3A_79 = arith.index_cast %add3A_78 : i32 to index
      %get3A_80 = memref.load %arg5[%get3A_79] : memref<128xi32, #tpu.memory_space<smem>>
      %get3A_81 = arith.constant 0 : index
      %get3A_82 = arith.index_cast %get3A_80 : i32 to index
      %get3A_83 = arith.constant 0 : index
      %get3A_84 = vector.load %arg6[%get3A_81, %get3A_82, %get3A_83] : memref<8x128x1024xf32, #tpu.memory_space<vmem>>, vector<8x1x1024xf32>
      %get3A_85 = vector.shape_cast %get3A_84 : vector<8x1x1024xf32> to vector<8x1024xf32>
      %swap3A_86 = arith.constant 40 : index
      %swap3A_87 = arith.constant 0 : index
      %swap3A_88 = vector.load %arg14[%swap3A_86, %swap3A_87] : memref<64x1024xf32, #tpu.memory_space<vmem>>, vector<8x1024xf32>
      tpu.vector_store %arg14[%swap3A_86, %swap3A_87], %get3A_85 {strides = array<i32>} : memref<64x1024xf32, #tpu.memory_space<vmem>>, vector<8x1024xf32>,
      %mul3A_89 = arith.constant 8 : i32
      %mul3A_90 = arith.muli %get3A_4, %mul3A_89 : i32
      %add3A_91 = arith.constant 6 : i32
      %add3A_92 = arith.addi %mul3A_90, %add3A_91 : i32
      %get3A_93 = arith.index_cast %add3A_92 : i32 to index
      %get3A_94 = memref.load %arg5[%get3A_93] : memref<128xi32, #tpu.memory_space<smem>>
      %get3A_95 = arith.constant 0 : index
      %get3A_96 = arith.index_cast %get3A_94 : i32 to index
      %get3A_97 = arith.constant 0 : index
      %get3A_98 = vector.load %arg6[%get3A_95, %get3A_96, %get3A_97] : memref<8x128x1024xf32, #tpu.memory_space<vmem>>, vector<8x1x1024xf32>
      %get3A_99 = vector.shape_cast %get3A_98 : vector<8x1x1024xf32> to vector<8x1024xf32>
      %swap3A_100 = arith.constant 48 : index
      %swap3A_101 = arith.constant 0 : index
      %swap3A_102 = vector.load %arg14[%swap3A_100, %swap3A_101] : memref<64x1024xf32, #tpu.memory_space<vmem>>, vector<8x1024xf32>
      tpu.vector_store %arg14[%swap3A_100, %swap3A_101], %get3A_99 {strides = array<i32>} : memref<64x1024xf32, #tpu.memory_space<vmem>>, vector<8x1024xf32>,
      %mul3A_103 = arith.constant 8 : i32
      %mul3A_104 = arith.muli %get3A_4, %mul3A_103 : i32
      %add3A_105 = arith.constant 7 : i32
      %add3A_106 = arith.addi %mul3A_104, %add3A_105 : i32
      %get3A_107 = arith.index_cast %add3A_106 : i32 to index
      %get3A_108 = memref.load %arg5[%get3A_107] : memref<128xi32, #tpu.memory_space<smem>>
      %get3A_109 = arith.constant 0 : index
      %get3A_110 = arith.index_cast %get3A_108 : i32 to index
      %get3A_111 = arith.constant 0 : index
      %get3A_112 = vector.load %arg6[%get3A_109, %get3A_110, %get3A_111] : memref<8x128x1024xf32, #tpu.memory_space<vmem>>, vector<8x1x1024xf32>
      %get3A_113 = vector.shape_cast %get3A_112 : vector<8x1x1024xf32> to vector<8x1024xf32>
      %swap3A_114 = arith.constant 56 : index
      %swap3A_115 = arith.constant 0 : index
      %swap3A_116 = vector.load %arg14[%swap3A_114, %swap3A_115] : memref<64x1024xf32, #tpu.memory_space<vmem>>, vector<8x1024xf32>
      tpu.vector_store %arg14[%swap3A_114, %swap3A_115], %get3A_113 {strides = array<i32>} : memref<64x1024xf32, #tpu.memory_space<vmem>>, vector<8x1024xf32>,
      %get3A_117 = arith.constant 0 : index
      %get3A_118 = arith.constant 0 : index
      %get3A_119 = vector.load %arg14[%get3A_117, %get3A_118] : memref<64x1024xf32, #tpu.memory_space<vmem>>, vector<64x1024xf32>
      %get3A_120 = arith.constant 0 : index
      %get3A_121 = arith.constant 0 : index
      %get3A_122 = arith.constant 0 : index
      %get3A_123 = vector.load %arg7[%get3A_120, %get3A_121, %get3A_122] : memref<1x128x1024xf32, #tpu.memory_space<vmem>>, vector<1x128x1024xf32>
      %get3A_124 = vector.shape_cast %get3A_123 : vector<1x128x1024xf32> to vector<128x1024xf32>
      %dot_general3A = arith.constant dense<0.000000e+00> : vector<64x128xf32>
      %dot_general3A_125 = tpu.matmul %get3A_119, %get3A_124, %dot_general3A {dimension_numbers = #tpu.dot_dimension_numbers<[1], [1], [0], [0], [0, 0, 1, 0], [], []>, transpose_lhs_hint = false} : vector<64x1024xf32>, vector<128x1024xf32>, vector<64x128xf32> -> vector<64x128xf32>
      %get3A_126 = arith.constant 0 : index
      %get3A_127 = arith.constant 0 : index
      %get3A_128 = arith.constant 0 : index
      %get3A_129 = vector.load %arg8[%get3A_126, %get3A_127, %get3A_128] : memref<1x128x1024xf32, #tpu.memory_space<vmem>>, vector<1x128x1024xf32>
      %get3A_130 = vector.shape_cast %get3A_129 : vector<1x128x1024xf32> to vector<128x1024xf32>
      %dot_general3A_131 = arith.constant dense<0.000000e+00> : vector<64x128xf32>
      %dot_general3A_132 = tpu.matmul %get3A_119, %get3A_130, %dot_general3A_131 {dimension_numbers = #tpu.dot_dimension_numbers<[1], [1], [0], [0], [0, 0, 1, 0], [], []>, transpose_lhs_hint = false} : vector<64x1024xf32>, vector<128x1024xf32>, vector<64x128xf32> -> vector<64x128xf32>
      %concatenate3A = tpu.concatenate %dot_general3A_125, %dot_general3A_132 in 1 : vector<64x128xf32>, vector<64x128xf32> -> vector<64x256xf32>
      %get3A_133 = arith.index_cast %get3A_6 : i32 to index
      %get3A_134 = arith.constant 0 : index
      %get3A_135 = vector.load %arg11[%get3A_133, %get3A_134] : memref<64x256xf32, #tpu.memory_space<vmem>>, vector<1x256xf32>
      %get3A_136 = vector.shape_cast %get3A_135 : vector<1x256xf32> to vector<256xf32>
      %broadcast_in_dim3A = vector.shape_cast %get3A_136 : vector<256xf32> to vector<1x256xf32>
      %add3A_137 = vector.broadcast %broadcast_in_dim3A : vector<1x256xf32> to vector<64x256xf32>
      %add3A_138 = arith.addf %concatenate3A, %add3A_137 : vector<64x256xf32>
      %max3A = arith.constant 0.000000e+00 : f32
      %max3A_139 = vector.broadcast %max3A : f32 to vector<64x256xf32>
      %max3A_140 = arith.maximumf %add3A_138, %max3A_139 : vector<64x256xf32>
      %get3A_141 = arith.constant 0 : index
      %get3A_142 = arith.constant 0 : index
      %get3A_143 = arith.constant 0 : index
      %get3A_144 = vector.load %arg9[%get3A_141, %get3A_142, %get3A_143] : memref<1x512x256xf32, #tpu.memory_space<vmem>>, vector<1x512x256xf32>
      %get3A_145 = vector.shape_cast %get3A_144 : vector<1x512x256xf32> to vector<512x256xf32>
      %dot_general3A_146 = arith.constant dense<0.000000e+00> : vector<64x512xf32>
      %dot_general3A_147 = tpu.matmul %max3A_140, %get3A_145, %dot_general3A_146 {dimension_numbers = #tpu.dot_dimension_numbers<[1], [1], [0], [0], [0, 0, 1, 0], [], []>, transpose_lhs_hint = false} : vector<64x256xf32>, vector<512x256xf32>, vector<64x512xf32> -> vector<64x512xf32>
      %get3A_148 = arith.constant 0 : index
      %get3A_149 = arith.constant 0 : index
      %get3A_150 = arith.constant 0 : index
      %get3A_151 = vector.load %arg10[%get3A_148, %get3A_149, %get3A_150] : memref<1x512x256xf32, #tpu.memory_space<vmem>>, vector<1x512x256xf32>
      %get3A_152 = vector.shape_cast %get3A_151 : vector<1x512x256xf32> to vector<512x256xf32>
      %dot_general3A_153 = arith.constant dense<0.000000e+00> : vector<64x512xf32>
      %dot_general3A_154 = tpu.matmul %max3A_140, %get3A_152, %dot_general3A_153 {dimension_numbers = #tpu.dot_dimension_numbers<[1], [1], [0], [0], [0, 0, 1, 0], [], []>, transpose_lhs_hint = false} : vector<64x256xf32>, vector<512x256xf32>, vector<64x512xf32> -> vector<64x512xf32>
      %concatenate3A_155 = tpu.concatenate %dot_general3A_147, %dot_general3A_154 in 1 : vector<64x512xf32>, vector<64x512xf32> -> vector<64x1024xf32>
      %get3A_156 = arith.index_cast %get3A_6 : i32 to index
      %get3A_157 = arith.constant 0 : index
      %get3A_158 = vector.load %arg12[%get3A_156, %get3A_157] : memref<64x1024xf32, #tpu.memory_space<vmem>>, vector<1x1024xf32>
      %get3A_159 = vector.shape_cast %get3A_158 : vector<1x1024xf32> to vector<1024xf32>
      %broadcast_in_dim3A_160 = vector.shape_cast %get3A_159 : vector<1024xf32> to vector<1x1024xf32>
      %add3A_161 = vector.broadcast %broadcast_in_dim3A_160 : vector<1x1024xf32> to vector<64x1024xf32>
      %add3A_162 = arith.addf %concatenate3A_155, %add3A_161 : vector<64x1024xf32>
      %reshape3A = vector.shape_cast %add3A_162 : vector<64x1024xf32> to vector<8x8x1024xf32>
      %le3A = arith.constant 0 : i32
      %le3A_163 = arith.cmpi sle, %get3A_0, %le3A : i32
      %gt3A_164 = arith.constant 0 : i32
      %gt3A_165 = arith.cmpi sgt, %get3A_2, %gt3A_164 : i32
      %and3A = arith.andi %le3A_163, %gt3A_165 : i1
      %convert_element_type3A_166 = arith.extui %and3A : i1 to i32
      %cond3A_167 = arith.constant 0 : i32
      %cond3A_168 = arith.cmpi ne, %convert_element_type3A_166, %cond3A_167 : i32
      scf.if %cond3A_168 {
        %mul3A_225 = arith.constant 8 : i32
        %mul3A_226 = arith.muli %get3A_4, %mul3A_225 : i32
        %add3A_227 = arith.constant 0 : i32
        %add3A_228 = arith.addi %mul3A_226, %add3A_227 : i32
        %get3A_229 = arith.index_cast %add3A_228 : i32 to index
        %get3A_230 = memref.load %arg5[%get3A_229] : memref<128xi32, #tpu.memory_space<smem>>
        %slice3A = vector.extract_strided_slice %reshape3A {offsets = [0, 0, 0], sizes = [1, 8, 1024], strides = [1, 1, 1]} : vector<8x8x1024xf32> to vector<1x8x1024xf32>
        %squeeze3A = vector.shape_cast %slice3A : vector<1x8x1024xf32> to vector<8x1024xf32>
        %swap3A_231 = arith.constant 0 : index
        %swap3A_232 = arith.index_cast %get3A_230 : i32 to index
        %swap3A_233 = arith.constant 0 : index
        %swap3A_234 = vector.load %arg13[%swap3A_231, %swap3A_232, %swap3A_233] : memref<8x128x1024xf32, #tpu.memory_space<vmem>>, vector<8x1x1024xf32>
        %swap3A_235 = vector.shape_cast %swap3A_234 : vector<8x1x1024xf32> to vector<8x1024xf32>
        %swap3A_236 = vector.shape_cast %squeeze3A : vector<8x1024xf32> to vector<8x1x1024xf32>
        tpu.vector_store %arg13[%swap3A_231, %swap3A_232, %swap3A_233], %swap3A_236 {strides = array<i32>} : memref<8x128x1024xf32, #tpu.memory_space<vmem>>, vector<8x1x1024xf32>,
      } else {
      }
      %le3A_169 = arith.constant 1 : i32
      %le3A_170 = arith.cmpi sle, %get3A_0, %le3A_169 : i32
      %gt3A_171 = arith.constant 1 : i32
      %gt3A_172 = arith.cmpi sgt, %get3A_2, %gt3A_171 : i32
      %and3A_173 = arith.andi %le3A_170, %gt3A_172 : i1
      %convert_element_type3A_174 = arith.extui %and3A_173 : i1 to i32
      %cond3A_175 = arith.constant 0 : i32
      %cond3A_176 = arith.cmpi ne, %convert_element_type3A_174, %cond3A_175 : i32
      scf.if %cond3A_176 {
        %mul3A_225 = arith.constant 8 : i32
        %mul3A_226 = arith.muli %get3A_4, %mul3A_225 : i32
        %add3A_227 = arith.constant 1 : i32
        %add3A_228 = arith.addi %mul3A_226, %add3A_227 : i32
        %get3A_229 = arith.index_cast %add3A_228 : i32 to index
        %get3A_230 = memref.load %arg5[%get3A_229] : memref<128xi32, #tpu.memory_space<smem>>
        %slice3A = vector.extract_strided_slice %reshape3A {offsets = [1, 0, 0], sizes = [1, 8, 1024], strides = [1, 1, 1]} : vector<8x8x1024xf32> to vector<1x8x1024xf32>
        %squeeze3A = vector.shape_cast %slice3A : vector<1x8x1024xf32> to vector<8x1024xf32>
        %swap3A_231 = arith.constant 0 : index
        %swap3A_232 = arith.index_cast %get3A_230 : i32 to index
        %swap3A_233 = arith.constant 0 : index
        %swap3A_234 = vector.load %arg13[%swap3A_231, %swap3A_232, %swap3A_233] : memref<8x128x1024xf32, #tpu.memory_space<vmem>>, vector<8x1x1024xf32>
        %swap3A_235 = vector.shape_cast %swap3A_234 : vector<8x1x1024xf32> to vector<8x1024xf32>
        %swap3A_236 = vector.shape_cast %squeeze3A : vector<8x1024xf32> to vector<8x1x1024xf32>
        tpu.vector_store %arg13[%swap3A_231, %swap3A_232, %swap3A_233], %swap3A_236 {strides = array<i32>} : memref<8x128x1024xf32, #tpu.memory_space<vmem>>, vector<8x1x1024xf32>,
      } else {
      }
      %le3A_177 = arith.constant 2 : i32
      %le3A_178 = arith.cmpi sle, %get3A_0, %le3A_177 : i32
      %gt3A_179 = arith.constant 2 : i32
      %gt3A_180 = arith.cmpi sgt, %get3A_2, %gt3A_179 : i32
      %and3A_181 = arith.andi %le3A_178, %gt3A_180 : i1
      %convert_element_type3A_182 = arith.extui %and3A_181 : i1 to i32
      %cond3A_183 = arith.constant 0 : i32
      %cond3A_184 = arith.cmpi ne, %convert_element_type3A_182, %cond3A_183 : i32
      scf.if %cond3A_184 {
        %mul3A_225 = arith.constant 8 : i32
        %mul3A_226 = arith.muli %get3A_4, %mul3A_225 : i32
        %add3A_227 = arith.constant 2 : i32
        %add3A_228 = arith.addi %mul3A_226, %add3A_227 : i32
        %get3A_229 = arith.index_cast %add3A_228 : i32 to index
        %get3A_230 = memref.load %arg5[%get3A_229] : memref<128xi32, #tpu.memory_space<smem>>
        %slice3A = vector.extract_strided_slice %reshape3A {offsets = [2, 0, 0], sizes = [1, 8, 1024], strides = [1, 1, 1]} : vector<8x8x1024xf32> to vector<1x8x1024xf32>
        %squeeze3A = vector.shape_cast %slice3A : vector<1x8x1024xf32> to vector<8x1024xf32>
        %swap3A_231 = arith.constant 0 : index
        %swap3A_232 = arith.index_cast %get3A_230 : i32 to index
        %swap3A_233 = arith.constant 0 : index
        %swap3A_234 = vector.load %arg13[%swap3A_231, %swap3A_232, %swap3A_233] : memref<8x128x1024xf32, #tpu.memory_space<vmem>>, vector<8x1x1024xf32>
        %swap3A_235 = vector.shape_cast %swap3A_234 : vector<8x1x1024xf32> to vector<8x1024xf32>
        %swap3A_236 = vector.shape_cast %squeeze3A : vector<8x1024xf32> to vector<8x1x1024xf32>
        tpu.vector_store %arg13[%swap3A_231, %swap3A_232, %swap3A_233], %swap3A_236 {strides = array<i32>} : memref<8x128x1024xf32, #tpu.memory_space<vmem>>, vector<8x1x1024xf32>,
      } else {
      }
      %le3A_185 = arith.constant 3 : i32
      %le3A_186 = arith.cmpi sle, %get3A_0, %le3A_185 : i32
      %gt3A_187 = arith.constant 3 : i32
      %gt3A_188 = arith.cmpi sgt, %get3A_2, %gt3A_187 : i32
      %and3A_189 = arith.andi %le3A_186, %gt3A_188 : i1
      %convert_element_type3A_190 = arith.extui %and3A_189 : i1 to i32
      %cond3A_191 = arith.constant 0 : i32
      %cond3A_192 = arith.cmpi ne, %convert_element_type3A_190, %cond3A_191 : i32
      scf.if %cond3A_192 {
        %mul3A_225 = arith.constant 8 : i32
        %mul3A_226 = arith.muli %get3A_4, %mul3A_225 : i32
        %add3A_227 = arith.constant 3 : i32
        %add3A_228 = arith.addi %mul3A_226, %add3A_227 : i32
        %get3A_229 = arith.index_cast %add3A_228 : i32 to index
        %get3A_230 = memref.load %arg5[%get3A_229] : memref<128xi32, #tpu.memory_space<smem>>
        %slice3A = vector.extract_strided_slice %reshape3A {offsets = [3, 0, 0], sizes = [1, 8, 1024], strides = [1, 1, 1]} : vector<8x8x1024xf32> to vector<1x8x1024xf32>
        %squeeze3A = vector.shape_cast %slice3A : vector<1x8x1024xf32> to vector<8x1024xf32>
        %swap3A_231 = arith.constant 0 : index
        %swap3A_232 = arith.index_cast %get3A_230 : i32 to index
        %swap3A_233 = arith.constant 0 : index
        %swap3A_234 = vector.load %arg13[%swap3A_231, %swap3A_232, %swap3A_233] : memref<8x128x1024xf32, #tpu.memory_space<vmem>>, vector<8x1x1024xf32>
        %swap3A_235 = vector.shape_cast %swap3A_234 : vector<8x1x1024xf32> to vector<8x1024xf32>
        %swap3A_236 = vector.shape_cast %squeeze3A : vector<8x1024xf32> to vector<8x1x1024xf32>
        tpu.vector_store %arg13[%swap3A_231, %swap3A_232, %swap3A_233], %swap3A_236 {strides = array<i32>} : memref<8x128x1024xf32, #tpu.memory_space<vmem>>, vector<8x1x1024xf32>,
      } else {
      }
      %le3A_193 = arith.constant 4 : i32
      %le3A_194 = arith.cmpi sle, %get3A_0, %le3A_193 : i32
      %gt3A_195 = arith.constant 4 : i32
      %gt3A_196 = arith.cmpi sgt, %get3A_2, %gt3A_195 : i32
      %and3A_197 = arith.andi %le3A_194, %gt3A_196 : i1
      %convert_element_type3A_198 = arith.extui %and3A_197 : i1 to i32
      %cond3A_199 = arith.constant 0 : i32
      %cond3A_200 = arith.cmpi ne, %convert_element_type3A_198, %cond3A_199 : i32
      scf.if %cond3A_200 {
        %mul3A_225 = arith.constant 8 : i32
        %mul3A_226 = arith.muli %get3A_4, %mul3A_225 : i32
        %add3A_227 = arith.constant 4 : i32
        %add3A_228 = arith.addi %mul3A_226, %add3A_227 : i32
        %get3A_229 = arith.index_cast %add3A_228 : i32 to index
        %get3A_230 = memref.load %arg5[%get3A_229] : memref<128xi32, #tpu.memory_space<smem>>
        %slice3A = vector.extract_strided_slice %reshape3A {offsets = [4, 0, 0], sizes = [1, 8, 1024], strides = [1, 1, 1]} : vector<8x8x1024xf32> to vector<1x8x1024xf32>
        %squeeze3A = vector.shape_cast %slice3A : vector<1x8x1024xf32> to vector<8x1024xf32>
        %swap3A_231 = arith.constant 0 : index
        %swap3A_232 = arith.index_cast %get3A_230 : i32 to index
        %swap3A_233 = arith.constant 0 : index
        %swap3A_234 = vector.load %arg13[%swap3A_231, %swap3A_232, %swap3A_233] : memref<8x128x1024xf32, #tpu.memory_space<vmem>>, vector<8x1x1024xf32>
        %swap3A_235 = vector.shape_cast %swap3A_234 : vector<8x1x1024xf32> to vector<8x1024xf32>
        %swap3A_236 = vector.shape_cast %squeeze3A : vector<8x1024xf32> to vector<8x1x1024xf32>
        tpu.vector_store %arg13[%swap3A_231, %swap3A_232, %swap3A_233], %swap3A_236 {strides = array<i32>} : memref<8x128x1024xf32, #tpu.memory_space<vmem>>, vector<8x1x1024xf32>,
      } else {
      }
      %le3A_201 = arith.constant 5 : i32
      %le3A_202 = arith.cmpi sle, %get3A_0, %le3A_201 : i32
      %gt3A_203 = arith.constant 5 : i32
      %gt3A_204 = arith.cmpi sgt, %get3A_2, %gt3A_203 : i32
      %and3A_205 = arith.andi %le3A_202, %gt3A_204 : i1
      %convert_element_type3A_206 = arith.extui %and3A_205 : i1 to i32
      %cond3A_207 = arith.constant 0 : i32
      %cond3A_208 = arith.cmpi ne, %convert_element_type3A_206, %cond3A_207 : i32
      scf.if %cond3A_208 {
        %mul3A_225 = arith.constant 8 : i32
        %mul3A_226 = arith.muli %get3A_4, %mul3A_225 : i32
        %add3A_227 = arith.constant 5 : i32
        %add3A_228 = arith.addi %mul3A_226, %add3A_227 : i32
        %get3A_229 = arith.index_cast %add3A_228 : i32 to index
        %get3A_230 = memref.load %arg5[%get3A_229] : memref<128xi32, #tpu.memory_space<smem>>
        %slice3A = vector.extract_strided_slice %reshape3A {offsets = [5, 0, 0], sizes = [1, 8, 1024], strides = [1, 1, 1]} : vector<8x8x1024xf32> to vector<1x8x1024xf32>
        %squeeze3A = vector.shape_cast %slice3A : vector<1x8x1024xf32> to vector<8x1024xf32>
        %swap3A_231 = arith.constant 0 : index
        %swap3A_232 = arith.index_cast %get3A_230 : i32 to index
        %swap3A_233 = arith.constant 0 : index
        %swap3A_234 = vector.load %arg13[%swap3A_231, %swap3A_232, %swap3A_233] : memref<8x128x1024xf32, #tpu.memory_space<vmem>>, vector<8x1x1024xf32>
        %swap3A_235 = vector.shape_cast %swap3A_234 : vector<8x1x1024xf32> to vector<8x1024xf32>
        %swap3A_236 = vector.shape_cast %squeeze3A : vector<8x1024xf32> to vector<8x1x1024xf32>
        tpu.vector_store %arg13[%swap3A_231, %swap3A_232, %swap3A_233], %swap3A_236 {strides = array<i32>} : memref<8x128x1024xf32, #tpu.memory_space<vmem>>, vector<8x1x1024xf32>,
      } else {
      }
      %le3A_209 = arith.constant 6 : i32
      %le3A_210 = arith.cmpi sle, %get3A_0, %le3A_209 : i32
      %gt3A_211 = arith.constant 6 : i32
      %gt3A_212 = arith.cmpi sgt, %get3A_2, %gt3A_211 : i32
      %and3A_213 = arith.andi %le3A_210, %gt3A_212 : i1
      %convert_element_type3A_214 = arith.extui %and3A_213 : i1 to i32
      %cond3A_215 = arith.constant 0 : i32
      %cond3A_216 = arith.cmpi ne, %convert_element_type3A_214, %cond3A_215 : i32
      scf.if %cond3A_216 {
        %mul3A_225 = arith.constant 8 : i32
        %mul3A_226 = arith.muli %get3A_4, %mul3A_225 : i32
        %add3A_227 = arith.constant 6 : i32
        %add3A_228 = arith.addi %mul3A_226, %add3A_227 : i32
        %get3A_229 = arith.index_cast %add3A_228 : i32 to index
        %get3A_230 = memref.load %arg5[%get3A_229] : memref<128xi32, #tpu.memory_space<smem>>
        %slice3A = vector.extract_strided_slice %reshape3A {offsets = [6, 0, 0], sizes = [1, 8, 1024], strides = [1, 1, 1]} : vector<8x8x1024xf32> to vector<1x8x1024xf32>
        %squeeze3A = vector.shape_cast %slice3A : vector<1x8x1024xf32> to vector<8x1024xf32>
        %swap3A_231 = arith.constant 0 : index
        %swap3A_232 = arith.index_cast %get3A_230 : i32 to index
        %swap3A_233 = arith.constant 0 : index
        %swap3A_234 = vector.load %arg13[%swap3A_231, %swap3A_232, %swap3A_233] : memref<8x128x1024xf32, #tpu.memory_space<vmem>>, vector<8x1x1024xf32>
        %swap3A_235 = vector.shape_cast %swap3A_234 : vector<8x1x1024xf32> to vector<8x1024xf32>
        %swap3A_236 = vector.shape_cast %squeeze3A : vector<8x1024xf32> to vector<8x1x1024xf32>
        tpu.vector_store %arg13[%swap3A_231, %swap3A_232, %swap3A_233], %swap3A_236 {strides = array<i32>} : memref<8x128x1024xf32, #tpu.memory_space<vmem>>, vector<8x1x1024xf32>,
      } else {
      }
      %le3A_217 = arith.constant 7 : i32
      %le3A_218 = arith.cmpi sle, %get3A_0, %le3A_217 : i32
      %gt3A_219 = arith.constant 7 : i32
      %gt3A_220 = arith.cmpi sgt, %get3A_2, %gt3A_219 : i32
      %and3A_221 = arith.andi %le3A_218, %gt3A_220 : i1
      %convert_element_type3A_222 = arith.extui %and3A_221 : i1 to i32
      %cond3A_223 = arith.constant 0 : i32
      %cond3A_224 = arith.cmpi ne, %convert_element_type3A_222, %cond3A_223 : i32
      scf.if %cond3A_224 {
        %mul3A_225 = arith.constant 8 : i32
        %mul3A_226 = arith.muli %get3A_4, %mul3A_225 : i32
        %add3A_227 = arith.constant 7 : i32
        %add3A_228 = arith.addi %mul3A_226, %add3A_227 : i32
        %get3A_229 = arith.index_cast %add3A_228 : i32 to index
        %get3A_230 = memref.load %arg5[%get3A_229] : memref<128xi32, #tpu.memory_space<smem>>
        %slice3A = vector.extract_strided_slice %reshape3A {offsets = [7, 0, 0], sizes = [1, 8, 1024], strides = [1, 1, 1]} : vector<8x8x1024xf32> to vector<1x8x1024xf32>
        %squeeze3A = vector.shape_cast %slice3A : vector<1x8x1024xf32> to vector<8x1024xf32>
        %swap3A_231 = arith.constant 0 : index
        %swap3A_232 = arith.index_cast %get3A_230 : i32 to index
        %swap3A_233 = arith.constant 0 : index
        %swap3A_234 = vector.load %arg13[%swap3A_231, %swap3A_232, %swap3A_233] : memref<8x128x1024xf32, #tpu.memory_space<vmem>>, vector<8x1x1024xf32>
        %swap3A_235 = vector.shape_cast %swap3A_234 : vector<8x1x1024xf32> to vector<8x1024xf32>
        %swap3A_236 = vector.shape_cast %squeeze3A : vector<8x1024xf32> to vector<8x1x1024xf32>
        tpu.vector_store %arg13[%swap3A_231, %swap3A_232, %swap3A_233], %swap3A_236 {strides = array<i32>} : memref<8x128x1024xf32, #tpu.memory_space<vmem>>, vector<8x1x1024xf32>,
      } else {
      }
    } else {
    }
    return
  }
  func.func @transform_0(%arg0: i32, %arg1: memref<79xi32, #tpu.memory_space<smem>>, %arg2: memref<79xi32, #tpu.memory_space<smem>>, %arg3: memref<79xi32, #tpu.memory_space<smem>>, %arg4: memref<79xi32, #tpu.memory_space<smem>>, %arg5: memref<128xi32, #tpu.memory_space<smem>>) -> (i32, i32, i32) {
    %c0_i32 = arith.constant 0 : i32
    %c0_i32_0 = arith.constant 0 : i32
    %c0_i32_1 = arith.constant 0 : i32
    %c0_i32_2 = arith.constant 0 : i32
    return %c0_i32, %c0_i32_0, %c0_i32_1 : i32, i32, i32
  }
  func.func @transform_1(%arg0: i32, %arg1: memref<79xi32, #tpu.memory_space<smem>>, %arg2: memref<79xi32, #tpu.memory_space<smem>>, %arg3: memref<79xi32, #tpu.memory_space<smem>>, %arg4: memref<79xi32, #tpu.memory_space<smem>>, %arg5: memref<128xi32, #tpu.memory_space<smem>>) -> (i32, i32, i32) {
    %get3A = arith.index_cast %arg0 : i32 to index
    %get3A_0 = memref.load %arg1[%get3A] : memref<79xi32, #tpu.memory_space<smem>>
    %c0_i32 = arith.constant 0 : i32
    %c0_i32_1 = arith.constant 0 : i32
    %c0_i32_2 = arith.constant 0 : i32
    return %get3A_0, %c0_i32, %c0_i32_1 : i32, i32, i32
  }
  func.func @transform_2(%arg0: i32, %arg1: memref<79xi32, #tpu.memory_space<smem>>, %arg2: memref<79xi32, #tpu.memory_space<smem>>, %arg3: memref<79xi32, #tpu.memory_space<smem>>, %arg4: memref<79xi32, #tpu.memory_space<smem>>, %arg5: memref<128xi32, #tpu.memory_space<smem>>) -> (i32, i32, i32) {
    %get3A = arith.index_cast %arg0 : i32 to index
    %get3A_0 = memref.load %arg1[%get3A] : memref<79xi32, #tpu.memory_space<smem>>
    %c1_i32 = arith.constant 1 : i32
    %c0_i32 = arith.constant 0 : i32
    %c0_i32_1 = arith.constant 0 : i32
    return %get3A_0, %c1_i32, %c0_i32 : i32, i32, i32
  }
  func.func @transform_3(%arg0: i32, %arg1: memref<79xi32, #tpu.memory_space<smem>>, %arg2: memref<79xi32, #tpu.memory_space<smem>>, %arg3: memref<79xi32, #tpu.memory_space<smem>>, %arg4: memref<79xi32, #tpu.memory_space<smem>>, %arg5: memref<128xi32, #tpu.memory_space<smem>>) -> (i32, i32, i32) {
    %get3A = arith.index_cast %arg0 : i32 to index
    %get3A_0 = memref.load %arg1[%get3A] : memref<79xi32, #tpu.memory_space<smem>>
    %c0_i32 = arith.constant 0 : i32
    %c0_i32_1 = arith.constant 0 : i32
    %c0_i32_2 = arith.constant 0 : i32
    return %get3A_0, %c0_i32, %c0_i32_1 : i32, i32, i32
  }
  func.func @transform_4(%arg0: i32, %arg1: memref<79xi32, #tpu.memory_space<smem>>, %arg2: memref<79xi32, #tpu.memory_space<smem>>, %arg3: memref<79xi32, #tpu.memory_space<smem>>, %arg4: memref<79xi32, #tpu.memory_space<smem>>, %arg5: memref<128xi32, #tpu.memory_space<smem>>) -> (i32, i32, i32) {
    %get3A = arith.index_cast %arg0 : i32 to index
    %get3A_0 = memref.load %arg1[%get3A] : memref<79xi32, #tpu.memory_space<smem>>
    %c1_i32 = arith.constant 1 : i32
    %c0_i32 = arith.constant 0 : i32
    %c0_i32_1 = arith.constant 0 : i32
    return %get3A_0, %c1_i32, %c0_i32 : i32, i32, i32
  }
  func.func @transform_5(%arg0: i32, %arg1: memref<79xi32, #tpu.memory_space<smem>>, %arg2: memref<79xi32, #tpu.memory_space<smem>>, %arg3: memref<79xi32, #tpu.memory_space<smem>>, %arg4: memref<79xi32, #tpu.memory_space<smem>>, %arg5: memref<128xi32, #tpu.memory_space<smem>>) -> (i32, i32) {
    %c0_i32 = arith.constant 0 : i32
    %c0_i32_0 = arith.constant 0 : i32
    %c0_i32_1 = arith.constant 0 : i32
    return %c0_i32, %c0_i32_0 : i32, i32
  }
  func.func @transform_6(%arg0: i32, %arg1: memref<79xi32, #tpu.memory_space<smem>>, %arg2: memref<79xi32, #tpu.memory_space<smem>>, %arg3: memref<79xi32, #tpu.memory_space<smem>>, %arg4: memref<79xi32, #tpu.memory_space<smem>>, %arg5: memref<128xi32, #tpu.memory_space<smem>>) -> (i32, i32) {
    %c0_i32 = arith.constant 0 : i32
    %c0_i32_0 = arith.constant 0 : i32
    %c0_i32_1 = arith.constant 0 : i32
    return %c0_i32, %c0_i32_0 : i32, i32
  }
  func.func @transform_7(%arg0: i32, %arg1: memref<79xi32, #tpu.memory_space<smem>>, %arg2: memref<79xi32, #tpu.memory_space<smem>>, %arg3: memref<79xi32, #tpu.memory_space<smem>>, %arg4: memref<79xi32, #tpu.memory_space<smem>>, %arg5: memref<128xi32, #tpu.memory_space<smem>>) -> (i32, i32, i32) {
    %c0_i32 = arith.constant 0 : i32
    %c0_i32_0 = arith.constant 0 : i32
    %c0_i32_1 = arith.constant 0 : i32
    %c0_i32_2 = arith.constant 0 : i32
    return %c0_i32, %c0_i32_0, %c0_i32_1 : i32, i32, i32
  }
}

</mosaic_0001>

<sc_bundles>
// kernel: kernel.4.cloned.1.call-start
scs
__scs_entry_jumppad:
0x0: {  	(pc) =	sbr.rel $0x88, $3  }
0x1: {  	(tag) =	ssettag $0x0;
	lr =	simm.s32 $0x1  }
0x2: {  	[smem:$0x3F9B] =	sst lr;
	_ =	strace $0xD0000000  }
0x3: {  	_ = 	snop  }
0x4: {  	_ = 	snop  }
0x5: {  	_ = 	snop  }
0x6: {  	_ = 	snop  }
0x7: {  	_ = 	snop  }
__scs_overlays_trampoline_lowered:
0x8: {  	[smem:$0x3FAA] =	sst s0  }
0x9: {  	[smem:$0x3FAB] =	sst s1  }
0xa: {  	[smem:$0x3FAC] =	sst s2  }
0xb: {  	[smem:$0x3FAD] =	sst s3  }
0xc: {  	[smem:$0x3FAE] =	sst s4  }
0xd: {  	[smem:$0x3FAF] =	sst s5  }
0xe: {  	[smem:$0x3FB0] =	sst s6  }
0xf: {  	[smem:$0x3FB1] =	sst s7  }
0x10: {  	[smem:$0x3FB2] =	sst s8  }
0x11: {  	[smem:$0x3FB3] =	sst s9;
	s0 =	simm.s32 @!p0 $0x0  }
0x12: {  	s1 =	sld [smem:$0x3F99];
	s0 =	simm.s32 @p0 $0x1  }
0x13: {  	[smem:$0x3FB4] =	sst s0;
	s0 =	simm.s32 @!p1 $0x0  }
0x14: {  	s2 =	sld [smem:$0x3F98];
	s0 =	simm.s32 @p1 $0x1  }
0x15: {  	[smem:$0x3FB5] =	sst s0;
	s0 =	simm.s32 @!p2 $0x0  }
0x16: {  	s3 =	sld [smem:$0x3FDB];
	s0 =	simm.s32 @p2 $0x1  }
0x17: {  	s4 =	simm.s32 $0x1BF5;
	[smem:$0x3FB7] =	sst s0  }
0x18: {  	s0 =	sld [smem:$0x3F9A];
	_ =	swait.ge [sflag:s4], $0x0  }
0x19: {  	s7 =	sld [smem:$0x3F9B]  }
0x1a: {  	s8 =	sadd.s32 $0xFFFFE003, lr  }
0x1b: {  	s9 =	sadd.s32 $0xFFFFFEF7, lr;
	s5 =	simm.s32 $0xFFFFFFFF;
	p2 =	slt.u32 s8, $0xFFFFF086  }
0x1c: {  	p1 =	slt.u32 s9, $0xF7A;
	s5 =	simm.s32 @!p2 $0x0  }
0x1d: {  	s5 =	simm.s32 @p1 $0x1;
	p0 =	seq.s32 s7, s2  }
0x1e: {  	s7 =	smul.u32 @!p0 $0xF7A, s2;
	p2 =	seq.s32 @!p0 s5, $0x0  }
0x1f: {  	s9 =	smul.u32 $0xF7A, s1;
	s8 =	simm.s32 @!p0 $0x1BF5;
	p2 =	por !p2, p0  }
0x20: {  	[sflag:s8] =	ssyncset.s32 @!p0 $0xFFFFF086;
	s6 =	sadd.s32 @!p0 s3, s7;
	s7 =	simm.s32 @!p0 $0x108  }
0x21: {  	s3 =	sadd.s32 s3, s9;
	s6 =	sadd.s32 @!p0 $0x88, s6;
	s7 =	simm.s32 @p2 $0x1082  }
0x22: {  	[simem:s7], [sflag:s8] =	dma.local @!p0 [hbm:s6], $0xF7A  }
0x23: {  	s9 =	sor.u32 $0xD0000000, s2;
	s6 =	simm.s32 $0x108;
	_ =	swait.ge @!p0 [sflag:s8], $0x0  }
0x24: {  	s3 =	sadd.s32 $0x88, s3;
	s6 =	simm.s32 @!p1 $0x1082;
	[sflag:s4] =	ssyncset.s32 $0xFFFFF086  }
0x25: {  	[simem:s6], [sflag:s4] =	dma.local [hbm:s3], $0xF7A  }
0x26: {  	[smem:$0x3F9B] =	sst s1;
	(tag) =	ssettag s2;
	_ =	strace s9  }
0x27: {  	s1 =	sld [smem:$0x3FAB]  }
0x28: {  	s2 =	sld [smem:$0x3FAC]  }
0x29: {  	s4 =	sld [smem:$0x3FAE]  }
0x2a: {  	p0 =	seq.s32 s5, $0x0;
	s5 =	sld [smem:$0x3FAF]  }
0x2b: {  	s6 =	sld [smem:$0x3FB0]  }
0x2c: {  	s7 =	sld [smem:$0x3FB1]  }
0x2d: {  	s3 =	simm.s32 $0x108;
	s8 =	sld [smem:$0x3FB2]  }
0x2e: {  	s3 =	simm.s32 @!p0 $0x1082;
	s9 =	sld [smem:$0x3FB3]  }
0x2f: {  	lr =	sadd.s32 s0, s3;
	s0 =	sld [smem:$0x3FAA]  }
0x30: {  	s3 =	sld [smem:$0x3FAD]  }
0x31: {  	[smem:$0x3FB6] =	sst s10  }
0x32: {  	s10 =	sld [smem:$0x3FB4];
	_ =	sdelay $0x3  }
0x33: {  	p0 =	seq.s32 s10, $0x1;
	s10 =	sld [smem:$0x3FB6];
	_ =	sdelay $0x3  }
0x34: {  	[smem:$0x3FB6] =	sst s10  }
0x35: {  	s10 =	sld [smem:$0x3FB5];
	_ =	sdelay $0x3  }
0x36: {  	p1 =	seq.s32 s10, $0x1;
	s10 =	sld [smem:$0x3FB6];
	_ =	sdelay $0x3  }
0x37: {  	[smem:$0x3FB6] =	sst s10  }
0x38: {  	s10 =	sld [smem:$0x3FB7]  }
0x39: {  	_ = 	snop;
	(pc) =	sbr.ind lr, $3  }
0x3a: {  	_ = 	snop  }
0x3b: {  	_ = 	snop  }
0x3c: {  	p2 =	seq.s32 s10, $0x1;
	s10 =	sld [smem:$0x3FB6]  }
0x3d: {  	_ =	shalt  }
0x3e: {  	_ =	shalt  }
0x3f: {  	_ =	shalt  }
0x40: {  	_ =	shalt  }
0x41: {  	_ =	shalt  }
0x42: {  	_ =	shalt  }
0x43: {  	_ =	shalt  }
0x44: {  	_ =	shalt  }
0x45: {  	_ =	shalt  }
0x46: {  	_ =	shalt  }
0x47: {  	_ =	shalt  }
0x48: {  	_ =	shalt  }
0x49: {  	_ =	shalt  }
0x4a: {  	_ =	shalt  }
0x4b: {  	_ =	shalt  }
0x4c: {  	_ =	shalt  }
0x4d: {  	_ =	shalt  }
0x4e: {  	_ =	shalt  }
0x4f: {  	_ =	shalt  }
0x50: {  	_ =	shalt  }
0x51: {  	_ =	shalt  }
0x52: {  	_ =	shalt  }
0x53: {  	_ =	shalt  }
0x54: {  	_ =	shalt  }
0x55: {  	_ =	shalt  }
0x56: {  	_ =	shalt  }
0x57: {  	_ =	shalt  }
0x58: {  	_ =	shalt  }
0x59: {  	_ =	shalt  }
0x5a: {  	_ =	shalt  }
0x5b: {  	_ =	shalt  }
0x5c: {  	_ =	shalt  }
0x5d: {  	_ =	shalt  }
0x5e: {  	_ =	shalt  }
0x5f: {  	_ =	shalt  }
0x60: {  	_ =	shalt  }
0x61: {  	_ =	shalt  }
0x62: {  	_ =	shalt  }
0x63: {  	_ =	shalt  }
0x64: {  	_ =	shalt  }
0x65: {  	_ =	shalt  }
0x66: {  	_ =	shalt  }
0x67: {  	_ =	shalt  }
0x68: {  	_ =	shalt  }
0x69: {  	_ =	shalt  }
0x6a: {  	_ =	shalt  }
0x6b: {  	_ =	shalt  }
0x6c: {  	_ =	shalt  }
0x6d: {  	_ =	shalt  }
0x6e: {  	_ =	shalt  }
0x6f: {  	_ =	shalt  }
0x70: {  	_ =	shalt  }
0x71: {  	_ =	shalt  }
0x72: {  	_ =	shalt  }
0x73: {  	_ =	shalt  }
0x74: {  	_ =	shalt  }
0x75: {  	_ =	shalt  }
0x76: {  	_ =	shalt  }
0x77: {  	_ =	shalt  }
0x78: {  	_ =	shalt  }
0x79: {  	_ =	shalt  }
0x7a: {  	_ =	shalt  }
0x7b: {  	_ =	shalt  }
0x7c: {  	_ =	shalt  }
0x7d: {  	_ =	shalt  }
0x7e: {  	_ =	shalt  }
0x7f: {  	_ =	shalt  }
0x80: {  	_ =	shalt  }
0x81: {  	_ =	shalt  }
0x82: {  	_ =	shalt  }
0x83: {  	_ =	shalt  }
0x84: {  	_ =	shalt  }
0x85: {  	_ =	shalt  }
0x86: {  	_ =	shalt  }
0x87: {  	_ =	shalt  }
.Lfunc_end0:
.L_simem_size_0:
called_computation_lowered:
.L_overlay_start_0:
0x88: {  	s2 =	sld [smem:$0x3FD9]  }
0x89: {  	s3 =	sld [smem:$0x3FFE];
	_ =	sdelay $0x1  }
0x8a: {  	s1 =	srdreg.scid  }
0x8b: {  	s0 =	sand.u32 $0x1, s1  }
0x8c: {  	s17 =	sshll.u32 s0, $0xA;
	s2 =	sadd.s32 s3, s2  }
0x8d: {  	s2 =	sadd.s32 s2, s17  }
0x8e: {  	[smem:$0x3FC2] =	sst s2  }
0x8f: {  	_ = 	snop  }
0x90: {  	s2 =	sld [smem:$0x3FD0];
	(tm) =	ssettm $0x1  }
0x91: {  	s18 =	sld [smem:$0x3FFB];
	_ =	sdelay $0x3  }
0x92: {  	_ =	strace s18  }
0x93: {  	s3 =	sld [smem:$0x3FFC];
	_ =	sdelay $0x3  }
0x94: {  	_ =	strace s3  }
0x95: {  	s3 =	sld [smem:$0x3FFD];
	_ =	sdelay $0x3  }
0x96: {  	_ =	strace s3  }
0x97: {  	_ =	strace $0x8FFFFFFF  }
0x98: {  	s19 =	sld [smem:$0x3FDB];
	_ =	sdelay $0x1  }
0x99: {  	s4 =	simm.s32 $_scs_section_size  }
0x9a: {  	s5 =	simm.s32 $_size__tile_overlayer_lowered;
	s6 =	simm.s32 $_tile_overlayer_lowered  }
0x9b: {  	s22 =	simm.s32 $0x1BFF;
	s21 =	sshll.u32 s6, $0x1;
	s3 =	sadd.s32 s4, s19  }
0x9c: {  	s7 =	simm.s32 $0x0;
	s20 =	sshll.u32 s5, $0x1;
	s5 =	sadd.s32 s21, s3  }
0x9d: {  	[timem:s7], [sflag:s22] =	dma.local [hbm:s5], s20  }
0x9e: {  	_ =	swait.ge [sflag:s22], s20  }
0x9f: {  	s4 =	ssub.s32 $0x0, s20;
	[sflag:s22] =	ssyncset.done $0x0  }
0xa0: {  	[sflag:s22] =	ssyncadd.s32 s4;
	_ =	sdelay $0x1  }
0xa1: {  	s23 =	simm.s32 $0x1B8B  }
0xa2: {  	_ =	swait.ge [sflag:s23], $0x1  }
0xa3: {  	[sflag:s23] =	ssyncset.done $0x0  }
0xa4: {  	s25 =	simm.s32 $0x1B8E;
	s24 =	sld [smem:$0x3FFE];
	[sflag:s23] =	ssyncadd.s32 $0xFFFFFFFF  }
0xa5: {  	s26 =	simm.s32 $execute0_lowered;
	[smem:$0x3FD2] =	sst s25  }
0xa6: {  	s5 =	sshll.u32 s26, $0x1;
	_ =	strace $0x80000046;
	[dreg:$0x1] =	wrdreg $0xFFFFFFFF  }
0xa7: {  	s28 =	simm.s32 $_size_execute0_lowered;
	s3 =	sadd.s32 s3, s5;
	[dreg:$0x0] =	wrdreg $0x0  }
0xa8: {  	s5 =	sshll.u32 s28, $0x1;
	[dreg:$0x2] =	wrdreg s3  }
0xa9: {  	[dreg:$0x3] =	wrdreg s5  }
0xaa: {  	[dreg:$0x4] =	wrdreg $0xC0  }
0xab: {  	_ =	task [dreg:s7], $0x5FFFF  }
0xac: {  	[dreg:$0x1] =	wrdreg $0xFFFFFFFF  }
0xad: {  	[dreg:$0x0] =	wrdreg $0x60  }
0xae: {  	[dreg:$0x2] =	wrdreg s2  }
0xaf: {  	[dreg:$0x3] =	wrdreg s24  }
0xb0: {  	[dreg:$0x4] =	wrdreg $0x9  }
0xb1: {  	_ =	task.clear_ibuf [dreg:s7], $0x5FFFF;
	_ =	strace $0x90000046  }
0xb2: {  	s29 =	simm.s32 $0x9;
	_ =	strace $0x80000048  }
0xb3: {  	_ =	swait.ge [sflag:s29], $0x1  }
0xb4: {  	[sflag:s29] =	ssyncadd.s32 $0xFFFFFFFF  }
0xb5: {  	_ =	strace $0x90000048  }
0xb6: {  	_ =	sfence  }
0xb7: {  	s30 =	sld [smem:$0x0];
	_ =	sdelay $0x2  }
0xb8: {  	s31 =	sshll.u32 s1, $0xD;
	s1 =	sshrl.u32 s1, $0x2  }
0xb9: {  	s3 =	sand.u32 $0x4000, s31;
	s1 =	sadd.s32 s1, s30  }
0xba: {  	s0 =	sor.u32 s3, s0;
	s1 =	sshll.u32 s1, $0x11  }
0xbb: {  	s0 =	sor.u32 s1, s0  }
0xbc: {  	s0 =	sadd.s32 $0x8F2B, s0  }
0xbd: {  	[sflag:s0] =	ssyncadd.remote.s32 $0x1  }
0xbe: {  	_ =	sfence.sel $0xFFFF  }
0xbf: {  	[dreg:$0x0] =	wrdreg $0xFFFFFFFF;
	(pc) =	sbr.abs _section_cstart, $3  }
0xc0: {  	[dreg:$0x1] =	wrdreg $0xFFFFFFFF  }
0xc1: {  	_ =	task.clear_ibuf [dreg:s7], $0x2FFFF;
	_ =	strace $0x9FFFFFFF  }
0xc2: {  	(tm) =	ssettm $0x7FFFFFFF  }
0xc3: {  	_ =	shalt  }
tec
execute0_lowered:
.L_overlay_start_1:
0x0: {  	(tag) =	ssettag $0x1  }
0x1: {  	s0 =	srdreg.scid  }
0x2: {  	s4 =	sand.u32 $0x1, s0;
	s0 =	stileid.u32  }
0x3: {  	s5 =	sshll.u32 s0, $0x1;
	s6 =	ssub.s32 $0x0, s4  }
0x4: {  	p0 =	sne.s32 s5, s6  }
.Ltmp0:
0x5: {  	_ = 	snop;
	(pc) =	sbr.rel @p0 .LBB2_4-.Ltmp0, $4  }
0x6: {  	_ = 	snop  }
0x7: {  	s2 =	rddreg [dreg:$0x0]  }
0x8: {  	s3 =	rddreg [dreg:$0x1]  }
0x9: {  	s1 =	rddreg [dreg:$0x2];
	_ =	strace $0x80000047  }
0xa: {  	s6 =	ssub.s32 $0x2, s4;
	s5 =	simm.s32 $0x0  }
0xb: {  	[tilespmem:s5], [sflag:$0x1] =	stream.linear.gather [hbm4b:s2+s5], $0x80, $0x38;
	[tilespmem:$0x80] =	vst v63  }
0xc: {  	s7 =	sshrl.u32 s6, $0x1  }
0xd: {  	s6 =	ssub.s32 s6, s7  }
0xe: {  	s4 =	simm.s32 $0x1;
	s6 =	smax.u32 s6, $0x1  }
0xf: {  	_ =	swait.ge [sflag:s4], $0x80;
	p0 =	sne.s32 s6, $0x1  }
.Ltmp1:
0x10: {  	[sflag:s4] =	ssyncset.done $0x0;
	(pc) =	sbr.rel @!p0 .LBB2_3-.Ltmp1, $4  }
0x11: {  	[sflag:s4] =	ssyncadd.s32 $0xFFFFFF80  }
0x12: {  	[hbm4b:s3+s5] =	stream.linear.scatter [tilespmem:s5], [sflag:$0x1], $0x80, $0x38;
	[tilespmem:$0x80] =	vst v63  }
0x13: {  	_ =	swait.ge [sflag:s4], $0x80  }
0x14: {  	s6 =	sadd.s32 $0xFFFFFFFF, s6;
	[sflag:s4] =	ssyncset.done $0x0  }
.LBB2_2:
0x15: {  	p0 =	sne.s32 s6, $0x1;
	s6 =	sadd.s32 $0xFFFFFFFF, s6;
	[sflag:s4] =	ssyncadd.s32 $0xFFFFFF80  }
0x16: {  	[tilespmem:s5], [sflag:$0x1] =	stream.linear.gather [hbm4b:s2+s5], $0x80, $0x38;
	[tilespmem:$0x80] =	vst v63  }
0x17: {  	_ =	swait.ge [sflag:s4], $0x80  }
.Ltmp2:
0x18: {  	[sflag:s4] =	ssyncset.done $0x0;
	(pc) =	sbr.rel @p0 .LBB2_2-.Ltmp2, $4  }
0x19: {  	[sflag:s4] =	ssyncadd.s32 $0xFFFFFF80  }
0x1a: {  	[hbm4b:s3+s5] =	stream.linear.scatter [tilespmem:s5], [sflag:$0x1], $0x80, $0x38;
	[tilespmem:$0x80] =	vst v63  }
0x1b: {  	_ =	swait.ge [sflag:s4], $0x80  }
0x1c: {  	[sflag:s4] =	ssyncset.done $0x0  }
.LBB2_3:
0x1d: {  	[sflag:s4] =	ssyncadd.s32 $0xFFFFFF80  }
.LBB2_4:
0x1e: {  	_ =	sfence.sel $0x180000  }
0x1f: {  	[bflag:$0x0] =	sbarrier.arrive $0xFFFF  }
0x20: {  	p0 =	sne.s32 s0, $0x0;
	_ =	strace $0x90000047  }
0x21: {  	s0 =	sadd.s32 @!p0 $0x100000, s1;
	[bflag:$0x2] =	sbarrier.arrive $0xFFFF  }
0x22: {  	[sflag:s0] =	ssyncadd.tile.s32 @!p0 $0x1;
	_ =	shalt  }
.Lfunc_end2:
_tile_overlayer_lowered:
.L_overlay_start_2:
0x23: {  	(tag) =	ssettag $0x2  }
0x24: {  	s0 =	rddreg [dreg:$0x0];
	s2 =	stileid.u32  }
0x25: {  	s1 =	rddreg [dreg:$0x1];
	p0 =	sne.s32 s2, $0x0  }
0x26: {  	s3 =	rddreg [dreg:$0x2];
	[bflag:$0x3] =	sbarrier.arrive $0xFFFF;
	s2 =	simm.s32 @!p0 $0x1C01  }
0x27: {  	[timem:s3], [sflag:s2] =	dma.local @!p0 [hbm:s0], s1  }
0x28: {  	s0 =	simm.s32 @!p0 $0x1  }
0x29: {  	_ =	swait.ge @!p0 [sflag:s0], s1  }
0x2a: {  	s1 =	ssub.s32 @!p0 $0x0, s1;
	[sflag:s0] =	ssyncset.done @!p0 $0x0  }
0x2b: {  	[sflag:s0] =	ssyncadd.s32 @!p0 s1  }
0x2c: {  	[bflag:$0x3] =	sbarrier.arrive $0xFFFF  }
0x2d: {  	_ =	shalt  }

</sc_bundles>
